<compile_context>
chip_gen: v7x
topology: tpu7x:2x2x1
jax: 0.10.2.dev20260603
libtpu: 0.0.44.dev20260713+nightly
codegen_flags: <defaults>
</compile_context>

<pallas_src>
import functools

import jax
import jax.numpy as jnp
import numpy as np
from jax import lax
from jax.experimental import pallas as pl
from jax.experimental.pallas import tpu as pltpu
from jax.experimental.pallas import tpu_sc as plsc

_FIELD_DIMS = [38462] * 26
_OFFSETS = np.concatenate([[0], np.cumsum(_FIELD_DIMS)[:-1]]).astype(np.int32)
_VOCAB = int(np.sum(_FIELD_DIMS))
_ED = 16
_B = 16384
_NF = 26
_NIDX = _B * _NF
_V16 = (_VOCAB + 15) // 16

_NC = 2
_NS = 16
_NW = _NC * _NS
_B_PER_W = _NIDX // _NW
_SC_CHUNK = 1024
_N_SC_CHUNK = _B_PER_W // _SC_CHUNK

_TC_CHUNK = 1024
_N_TC_CHUNK = _B // _TC_CHUNK
_D1 = _NF * _ED


def _sc_gather(embed2, e1pad, idx_flat, idx_hi, idx_lo):
  mesh = plsc.VectorSubcoreMesh(core_axis_name="c", subcore_axis_name="s")

  @functools.partial(
      pl.kernel,
      mesh=mesh,
      compiler_params=pltpu.CompilerParams(
          use_tc_tiling_on_sc=False, needs_layout_passes=False),
      out_type=[
          jax.ShapeDtypeStruct((_NIDX, _ED), jnp.float32),
          jax.ShapeDtypeStruct((_NIDX,), jnp.float32),
      ],
      scratch_types=[
          pltpu.VMEM((_SC_CHUNK,), jnp.int32),
          pltpu.VMEM((_SC_CHUNK,), jnp.int32),
          pltpu.VMEM((_SC_CHUNK,), jnp.int32),
          pltpu.VMEM((_SC_CHUNK, _ED), jnp.float32),
          pltpu.VMEM((_SC_CHUNK, _ED), jnp.float32),
          pltpu.VMEM((_SC_CHUNK,), jnp.float32),
          pltpu.SemaphoreType.DMA,
          pltpu.SemaphoreType.DMA,
      ],
  )
  def k(e2r, e1r, idx_hbm, hi_hbm, lo_hbm, v_hbm, w_hbm,
        idx_v, hi_v, lo_v, rows_v, e1rows_v, w_v, sem2, sem1):
    wid = lax.axis_index("s") * _NC + lax.axis_index("c")
    base = wid * _B_PER_W

    @pl.loop(0, _N_SC_CHUNK)
    def _(c):
      off = base + c * _SC_CHUNK
      pltpu.sync_copy(idx_hbm.at[pl.ds(off, _SC_CHUNK)], idx_v)
      pltpu.sync_copy(hi_hbm.at[pl.ds(off, _SC_CHUNK)], hi_v)
      pltpu.sync_copy(lo_hbm.at[pl.ds(off, _SC_CHUNK)], lo_v)
      cp2 = pltpu.make_async_copy(e2r.at[idx_v], rows_v, sem2)
      cp2.start()
      cp1 = pltpu.make_async_copy(e1r.at[hi_v], e1rows_v, sem1)
      cp1.start()
      cp2.wait()
      cp1.wait()
      pltpu.sync_copy(rows_v, v_hbm.at[pl.ds(off, _SC_CHUNK)])

      rowi = lax.iota(jnp.int32, 16)

      @pl.loop(0, _SC_CHUNK // 16)
      def _(j):
        lanes = lo_v[pl.ds(j * 16, 16)]
        w_v[pl.ds(j * 16, 16)] = plsc.load_gather(
            e1rows_v, [rowi + j * 16, lanes])

      pltpu.sync_copy(w_v, w_hbm.at[pl.ds(off, _SC_CHUNK)])

  return k(embed2, e1pad, idx_flat, idx_hi, idx_lo)


def _mlp_body(v_ref, w_ref, w1v_ref, w1w_ref, b1_ref, g1_ref, be1_ref,
              w2_ref, b2_ref, g2_ref, be2_ref, w3_ref, b3_ref, g3_ref,
              be3_ref, w4_ref, b4_ref, out_ref, h1_acc):
  i = pl.program_id(0)
  hp = jax.lax.Precision.DEFAULT

  def mm(a, b):
    return jnp.dot(a, b, preferred_element_type=jnp.float32, precision=hp)

  h1 = mm(w_ref[...], w1w_ref[...]) + mm(v_ref[...], w1v_ref[...]) + b1_ref[...]
  h1_acc[pl.ds(i * _TC_CHUNK, _TC_CHUNK), :] = h1

  @pl.when(i == _N_TC_CHUNK - 1)
  def _():
    def bn_relu(h, g, be):
      mu = jnp.mean(h, axis=0, keepdims=True)
      var = jnp.mean((h - mu) ** 2, axis=0, keepdims=True)
      return jnp.maximum((h - mu) * lax.rsqrt(var + 1e-5) * g + be, 0.0)

    h = bn_relu(h1_acc[...], g1_ref[...], be1_ref[...])
    h = bn_relu(mm(h, w2_ref[...]) + b2_ref[...], g2_ref[...], be2_ref[...])
    h = bn_relu(mm(h, w3_ref[...]) + b3_ref[...], g3_ref[...], be3_ref[...])
    o = mm(h, w4_ref[...]) + b4_ref[...]
    out_ref[...] = jax.nn.sigmoid(o)


def _mlp(v, w, w1v, w1w, b1, g1, be1, w2, b2, g2, be2, w3, b3, g3, be3,
         w4, b4):
  full = lambda shape: pl.BlockSpec(shape, lambda i: (0, 0))
  return pl.pallas_call(
      _mlp_body,
      grid=(_N_TC_CHUNK,),
      in_specs=[
          pl.BlockSpec((_TC_CHUNK, _D1), lambda i: (i, 0)),
          pl.BlockSpec((_TC_CHUNK, _NF), lambda i: (i, 0)),
          full(w1v.shape), full(w1w.shape), full(b1.shape), full(g1.shape),
          full(be1.shape), full(w2.shape), full(b2.shape), full(g2.shape),
          full(be2.shape), full(w3.shape), full(b3.shape), full(g3.shape),
          full(be3.shape), full(w4.shape), full(b4.shape),
      ],
      out_specs=pl.BlockSpec((_B, 1), lambda i: (0, 0)),
      out_shape=jax.ShapeDtypeStruct((_B, 1), jnp.float32),
      scratch_shapes=[
          pltpu.VMEM((_B, 128), jnp.float32),
      ],
  )(v, w, w1v, w1w, b1, g1, be1, w2, b2, g2, be2, w3, b3, g3, be3, w4, b4)


def kernel(x, embed1, embed2, W1, b1, g1, be1, W2, b2, g2, be2,
           W3, b3, g3, be3, W4, b4):
  idx_flat = (x + jnp.asarray(_OFFSETS)[None, :]).reshape(_NIDX)
  e1pad = jnp.pad(embed1.reshape(_VOCAB),
                  (0, _V16 * 16 - _VOCAB)).reshape(_V16, _ED)
  v_flat, w_flat = _sc_gather(embed2, e1pad, idx_flat,
                              idx_flat >> 4, idx_flat & 15)
  out = _mlp(
      v_flat.reshape(_B, _D1), w_flat.reshape(_B, _NF), W1[_NF:], W1[:_NF],
      b1.reshape(1, -1), g1.reshape(1, -1), be1.reshape(1, -1),
      W2, b2.reshape(1, -1), g2.reshape(1, -1), be2.reshape(1, -1),
      W3, b3.reshape(1, -1), g3.reshape(1, -1), be3.reshape(1, -1),
      W4, b4.reshape(1, -1),
  )
  return out.reshape(_B)

# --- scband reference (transcript-rebuilt; emitter-appended) ---
"""Pipeline reference for scband-factorization-machine-supported-neural-network-65506841199138 (READ-ONLY COPY).

The authoritative reference and input builder live on the scoring server;
editing this copy changes nothing except your own understanding.
"""

import jax, jax.numpy as jnp
import numpy as np

FIELD_DIMS = [38462] * 26
OFFSETS = np.concatenate([[0], np.cumsum(FIELD_DIMS)[:-1]]).astype(np.int32)
VOCAB = int(np.sum(FIELD_DIMS))
EMBED_DIM = 16
B = 16384
NF = 26
LAYERS = [(EMBED_DIM + 1) * NF, 128, 64, 32, 1]


def setup_inputs(seed: int = 0) -> dict:
    key = jax.random.key(seed)
    ks = jax.random.split(key, 16)
    x = jax.random.randint(ks[0], (B, NF), 0, 38462, dtype=jnp.int32)
    embed1 = jax.random.normal(ks[1], (VOCAB, 1), dtype=jnp.float32) * 0.01
    embed2 = jax.random.normal(ks[2], (VOCAB, EMBED_DIM), dtype=jnp.float32) * 0.01

    def lin(k, i, o):
        return jax.random.normal(k, (i, o), dtype=jnp.float32) * (1.0 / np.sqrt(i))

    inp = {"x": x, "embed1": embed1, "embed2": embed2}
    for li in range(4):
        i, o = LAYERS[li], LAYERS[li + 1]
        inp[f"W{li+1}"] = lin(ks[3 + li], i, o)
        inp[f"b{li+1}"] = jnp.zeros((o,), dtype=jnp.float32)
        if li < 3:
            inp[f"g{li+1}"] = jnp.ones((o,), dtype=jnp.float32)
            inp[f"be{li+1}"] = jnp.zeros((o,), dtype=jnp.float32)
    return inp


def _bn(h, g, b):
    mu = jnp.mean(h, axis=0)
    var = jnp.mean((h - mu) ** 2, axis=0)
    return (h - mu) / jnp.sqrt(var + 1e-5) * g + b


def reference(x, embed1, embed2, W1, b1, g1, be1, W2, b2, g2, be2, W3, b3, g3, be3, W4, b4):
    idx = x + jnp.asarray(OFFSETS)[None, :]
    w = jnp.take(embed1, idx, axis=0).squeeze(-1)
    v = jnp.take(embed2, idx, axis=0).reshape(x.shape[0], -1)
    h = jnp.concatenate([w, v], axis=1)
    h = jax.nn.relu(_bn(h @ W1 + b1, g1, be1))
    h = jax.nn.relu(_bn(h @ W2 + b2, g2, be2))
    h = jax.nn.relu(_bn(h @ W3 + b3, g3, be3))
    out = jax.nn.sigmoid(h @ W4 + b4)
    return out.squeeze(-1)

if __name__ == "__main__":
    import jax
    _d = setup_inputs()
    print(jax.jit(kernel)(*tuple(_d.values())))

</pallas_src>

<mosaic_0001>
#map = affine_map<(d0, d1) -> (0, 0)>
#map1 = affine_map<(d0, d1) -> (0)>
module attributes {stable_mosaic.version = 14 : i64} {
  func.func @k(%arg0: i32, %arg1: i32, %arg2: memref<1000012x16xf32, #tpu.memory_space<hbm>>, %arg3: memref<62501x16xf32, #tpu.memory_space<hbm>>, %arg4: memref<425984xi32, #tpu.memory_space<hbm>>, %arg5: memref<425984xi32, #tpu.memory_space<hbm>>, %arg6: memref<425984xi32, #tpu.memory_space<hbm>>, %arg7: memref<425984x16xf32, #tpu.memory_space<hbm>>, %arg8: memref<425984xf32, #tpu.memory_space<hbm>>, %arg9: memref<1024xi32, #tpu.memory_space<vmem>>, %arg10: memref<1024xi32, #tpu.memory_space<vmem>>, %arg11: memref<1024xi32, #tpu.memory_space<vmem>>, %arg12: memref<1024x16xf32, #tpu.memory_space<vmem>>, %arg13: memref<1024x16xf32, #tpu.memory_space<vmem>>, %arg14: memref<1024xf32, #tpu.memory_space<vmem>>, %arg15: memref<!tpu.dma_semaphore, #tpu.memory_space<semaphore_mem>>, %arg16: memref<!tpu.dma_semaphore, #tpu.memory_space<semaphore_mem>>) attributes {dimension_semantics = [#tpu.dimension_semantics<core_parallel>, #tpu.dimension_semantics<subcore_parallel>], iteration_bounds = array<i64: 2, 16>, scalar_prefetch = 0 : i64, scratch_operands = 8 : i64, tpu.core_type = #tpu.core_type<sc_vector_subcore>, window_params = [{transform_indices = #map}, {transform_indices = #map}, {transform_indices = #map1}, {transform_indices = #map1}, {transform_indices = #map1}, {transform_indices = #map}, {transform_indices = #map1}]} {
    %mul3A = arith.constant 2 : i32
    %mul3A_0 = arith.muli %arg1, %mul3A : i32
    %add3A = arith.addi %mul3A_0, %arg0 : i32
    %mul3A_1 = arith.constant 13312 : i32
    %mul3A_2 = arith.muli %add3A, %mul3A_1 : i32
    %scan3A = arith.constant 0 : i32
    %scan3A_3 = arith.constant 13 : i32
    %scan3A_4 = arith.addi %scan3A, %scan3A_3 : i32
    %scan3A_5 = arith.constant 1 : i32
    scf.for %scan3A_7 = %scan3A to %scan3A_4 step %scan3A_5  : i32 {
      %mul3A_8 = arith.constant 1 : i32
      %mul3A_9 = arith.muli %scan3A_7, %mul3A_8 : i32
      %add3A_10 = arith.constant 0 : i32
      %add3A_11 = arith.addi %add3A_10, %mul3A_9 : i32
      %mul3A_12 = arith.constant 1024 : i32
      %mul3A_13 = arith.muli %add3A_11, %mul3A_12 : i32
      %add3A_14 = arith.addi %mul3A_2, %mul3A_13 : i32
      "tpu.region"() ({
        %run_scoped3A = tpu.sem_alloc : memref<!tpu.dma_semaphore, #tpu.memory_space<semaphore_mem>>
        %dma_start3A_30 = tpu.memref_slice %arg4[%add3A_14] : memref<425984xi32, #tpu.memory_space<hbm>> -> memref<1024xi32, #tpu.memory_space<hbm>>
        %dma_start3A_31 = tpu.memref_slice %arg4[%add3A_14] : memref<425984xi32, #tpu.memory_space<hbm>> -> memref<1024xi32, #tpu.memory_space<hbm>>
        tpu.enqueue_dma source(%dma_start3A_31 : memref<1024xi32, #tpu.memory_space<hbm>>) target(%arg9 : memref<1024xi32, #tpu.memory_space<vmem>>) target_semaphore(%run_scoped3A : memref<!tpu.dma_semaphore, #tpu.memory_space<semaphore_mem>>)
        %dma_wait3A_32 = tpu.memref_slice %arg4[%add3A_14] : memref<425984xi32, #tpu.memory_space<hbm>> -> memref<1024xi32, #tpu.memory_space<hbm>>
        %dma_wait3A_33 = tpu.memref_slice %arg4[%add3A_14] : memref<425984xi32, #tpu.memory_space<hbm>> -> memref<1024xi32, #tpu.memory_space<hbm>>
        tpu.wait_dma2 semaphore(%run_scoped3A : memref<!tpu.dma_semaphore, #tpu.memory_space<semaphore_mem>>) src(%dma_wait3A_33 : memref<1024xi32, #tpu.memory_space<hbm>>) dst(%arg9 : memref<1024xi32, #tpu.memory_space<vmem>>)
        tpu.yield
      }) : () -> ()
      "tpu.region"() ({
        %run_scoped3A = tpu.sem_alloc : memref<!tpu.dma_semaphore, #tpu.memory_space<semaphore_mem>>
        %dma_start3A_30 = tpu.memref_slice %arg5[%add3A_14] : memref<425984xi32, #tpu.memory_space<hbm>> -> memref<1024xi32, #tpu.memory_space<hbm>>
        %dma_start3A_31 = tpu.memref_slice %arg5[%add3A_14] : memref<425984xi32, #tpu.memory_space<hbm>> -> memref<1024xi32, #tpu.memory_space<hbm>>
        tpu.enqueue_dma source(%dma_start3A_31 : memref<1024xi32, #tpu.memory_space<hbm>>) target(%arg10 : memref<1024xi32, #tpu.memory_space<vmem>>) target_semaphore(%run_scoped3A : memref<!tpu.dma_semaphore, #tpu.memory_space<semaphore_mem>>)
        %dma_wait3A_32 = tpu.memref_slice %arg5[%add3A_14] : memref<425984xi32, #tpu.memory_space<hbm>> -> memref<1024xi32, #tpu.memory_space<hbm>>
        %dma_wait3A_33 = tpu.memref_slice %arg5[%add3A_14] : memref<425984xi32, #tpu.memory_space<hbm>> -> memref<1024xi32, #tpu.memory_space<hbm>>
        tpu.wait_dma2 semaphore(%run_scoped3A : memref<!tpu.dma_semaphore, #tpu.memory_space<semaphore_mem>>) src(%dma_wait3A_33 : memref<1024xi32, #tpu.memory_space<hbm>>) dst(%arg10 : memref<1024xi32, #tpu.memory_space<vmem>>)
        tpu.yield
      }) : () -> ()
      "tpu.region"() ({
        %run_scoped3A = tpu.sem_alloc : memref<!tpu.dma_semaphore, #tpu.memory_space<semaphore_mem>>
        %dma_start3A_30 = tpu.memref_slice %arg6[%add3A_14] : memref<425984xi32, #tpu.memory_space<hbm>> -> memref<1024xi32, #tpu.memory_space<hbm>>
        %dma_start3A_31 = tpu.memref_slice %arg6[%add3A_14] : memref<425984xi32, #tpu.memory_space<hbm>> -> memref<1024xi32, #tpu.memory_space<hbm>>
        tpu.enqueue_dma source(%dma_start3A_31 : memref<1024xi32, #tpu.memory_space<hbm>>) target(%arg11 : memref<1024xi32, #tpu.memory_space<vmem>>) target_semaphore(%run_scoped3A : memref<!tpu.dma_semaphore, #tpu.memory_space<semaphore_mem>>)
        %dma_wait3A_32 = tpu.memref_slice %arg6[%add3A_14] : memref<425984xi32, #tpu.memory_space<hbm>> -> memref<1024xi32, #tpu.memory_space<hbm>>
        %dma_wait3A_33 = tpu.memref_slice %arg6[%add3A_14] : memref<425984xi32, #tpu.memory_space<hbm>> -> memref<1024xi32, #tpu.memory_space<hbm>>
        tpu.wait_dma2 semaphore(%run_scoped3A : memref<!tpu.dma_semaphore, #tpu.memory_space<semaphore_mem>>) src(%dma_wait3A_33 : memref<1024xi32, #tpu.memory_space<hbm>>) dst(%arg11 : memref<1024xi32, #tpu.memory_space<vmem>>)
        tpu.yield
      }) : () -> ()
      %dma_start3A = arith.constant 0 : i32
      %dma_start3A_15 = arith.constant 0 : i32
      %dma_start3A_16 = tpu.memref_slice %arg2[%dma_start3A, %dma_start3A_15] : memref<1000012x16xf32, #tpu.memory_space<hbm>> -> memref<1000012x16xf32, #tpu.memory_space<hbm>>
      tpu.enqueue_indirect_dma source(%dma_start3A_16 : memref<1000012x16xf32, #tpu.memory_space<hbm>>) target(%arg12 : memref<1024x16xf32, #tpu.memory_space<vmem>>) offsets(%arg9 : memref<1024xi32, #tpu.memory_space<vmem>>) semaphore(%arg15 : memref<!tpu.dma_semaphore, #tpu.memory_space<semaphore_mem>>)
      %dma_start3A_17 = arith.constant 0 : i32
      %dma_start3A_18 = arith.constant 0 : i32
      %dma_start3A_19 = tpu.memref_slice %arg3[%dma_start3A_17, %dma_start3A_18] : memref<62501x16xf32, #tpu.memory_space<hbm>> -> memref<62501x16xf32, #tpu.memory_space<hbm>>
      tpu.enqueue_indirect_dma source(%dma_start3A_19 : memref<62501x16xf32, #tpu.memory_space<hbm>>) target(%arg13 : memref<1024x16xf32, #tpu.memory_space<vmem>>) offsets(%arg10 : memref<1024xi32, #tpu.memory_space<vmem>>) semaphore(%arg16 : memref<!tpu.dma_semaphore, #tpu.memory_space<semaphore_mem>>)
      %dma_wait3A = arith.constant 0 : i32
      %dma_wait3A_20 = arith.constant 0 : i32
      %dma_wait3A_21 = tpu.memref_slice %arg2[%dma_wait3A, %dma_wait3A_20] : memref<1000012x16xf32, #tpu.memory_space<hbm>> -> memref<1000012x16xf32, #tpu.memory_space<hbm>>
      tpu.wait_indirect_dma semaphore(%arg15 : memref<!tpu.dma_semaphore, #tpu.memory_space<semaphore_mem>>) src(%dma_wait3A_21 : memref<1000012x16xf32, #tpu.memory_space<hbm>>) dst(%arg12 : memref<1024x16xf32, #tpu.memory_space<vmem>>)
      %dma_wait3A_22 = arith.constant 0 : i32
      %dma_wait3A_23 = arith.constant 0 : i32
      %dma_wait3A_24 = tpu.memref_slice %arg3[%dma_wait3A_22, %dma_wait3A_23] : memref<62501x16xf32, #tpu.memory_space<hbm>> -> memref<62501x16xf32, #tpu.memory_space<hbm>>
      tpu.wait_indirect_dma semaphore(%arg16 : memref<!tpu.dma_semaphore, #tpu.memory_space<semaphore_mem>>) src(%dma_wait3A_24 : memref<62501x16xf32, #tpu.memory_space<hbm>>) dst(%arg13 : memref<1024x16xf32, #tpu.memory_space<vmem>>)
      "tpu.region"() ({
        %run_scoped3A = tpu.sem_alloc : memref<!tpu.dma_semaphore, #tpu.memory_space<semaphore_mem>>
        %dma_start3A_30 = arith.constant 0 : i32
        %dma_start3A_31 = tpu.memref_slice %arg7[%add3A_14, %dma_start3A_30] : memref<425984x16xf32, #tpu.memory_space<hbm>> -> memref<1024x16xf32, #tpu.memory_space<hbm>>
        %dma_start3A_32 = arith.constant 0 : i32
        %dma_start3A_33 = tpu.memref_slice %arg7[%add3A_14, %dma_start3A_32] : memref<425984x16xf32, #tpu.memory_space<hbm>> -> memref<1024x16xf32, #tpu.memory_space<hbm>>
        tpu.enqueue_dma source(%arg12 : memref<1024x16xf32, #tpu.memory_space<vmem>>) target(%dma_start3A_33 : memref<1024x16xf32, #tpu.memory_space<hbm>>) target_semaphore(%run_scoped3A : memref<!tpu.dma_semaphore, #tpu.memory_space<semaphore_mem>>)
        %dma_wait3A_34 = arith.constant 0 : i32
        %dma_wait3A_35 = tpu.memref_slice %arg7[%add3A_14, %dma_wait3A_34] : memref<425984x16xf32, #tpu.memory_space<hbm>> -> memref<1024x16xf32, #tpu.memory_space<hbm>>
        %dma_wait3A_36 = arith.constant 0 : i32
        %dma_wait3A_37 = tpu.memref_slice %arg7[%add3A_14, %dma_wait3A_36] : memref<425984x16xf32, #tpu.memory_space<hbm>> -> memref<1024x16xf32, #tpu.memory_space<hbm>>
        tpu.wait_dma2 semaphore(%run_scoped3A : memref<!tpu.dma_semaphore, #tpu.memory_space<semaphore_mem>>) src(%arg12 : memref<1024x16xf32, #tpu.memory_space<vmem>>) dst(%dma_wait3A_37 : memref<1024x16xf32, #tpu.memory_space<hbm>>)
        tpu.yield
      }) : () -> ()
      %iota3A = tpu.iota {dimensions = array<i32: 0>} : vector<16xi32>
      %scan3A_25 = arith.constant 0 : i32
      %scan3A_26 = arith.constant 64 : i32
      %scan3A_27 = arith.addi %scan3A_25, %scan3A_26 : i32
      %scan3A_28 = arith.constant 1 : i32
      scf.for %scan3A_30 = %scan3A_25 to %scan3A_27 step %scan3A_28  : i32 {
        %mul3A_31 = arith.constant 1 : i32
        %mul3A_32 = arith.muli %scan3A_30, %mul3A_31 : i32
        %add3A_33 = arith.constant 0 : i32
        %add3A_34 = arith.addi %add3A_33, %mul3A_32 : i32
        %mul3A_35 = arith.constant 16 : i32
        %mul3A_36 = arith.muli %add3A_34, %mul3A_35 : i32
        %get3A = arith.index_cast %mul3A_36 : i32 to index
        %get3A_37 = tpu.vector_load %arg11[%get3A] {strides = array<i32>} : memref<1024xi32, #tpu.memory_space<vmem>>, vector<16xi32>,
        %mul3A_38 = arith.constant 16 : i32
        %mul3A_39 = arith.muli %add3A_34, %mul3A_38 : i32
        %add3A_40 = vector.broadcast %mul3A_39 : i32 to vector<16xi32>
        %add3A_41 = arith.addi %iota3A, %add3A_40 : vector<16xi32>
        %gather3A = tpu.vector_load_idx %arg13[%add3A_41, %get3A_37] : memref<1024x16xf32, #tpu.memory_space<vmem>>[vector<16xi32>, vector<16xi32>], vector<16xf32>,
        %mul3A_42 = arith.constant 16 : i32
        %mul3A_43 = arith.muli %add3A_34, %mul3A_42 : i32
        %swap3A = arith.index_cast %mul3A_43 : i32 to index
        %swap3A_44 = tpu.vector_load %arg14[%swap3A] {strides = array<i32>} : memref<1024xf32, #tpu.memory_space<vmem>>, vector<16xf32>,
        tpu.vector_store %arg14[%swap3A], %gather3A {strides = array<i32>} : memref<1024xf32, #tpu.memory_space<vmem>>, vector<16xf32>,
      }
      %scan3A_29 = arith.constant 64 : i32
      "tpu.region"() ({
        %run_scoped3A = tpu.sem_alloc : memref<!tpu.dma_semaphore, #tpu.memory_space<semaphore_mem>>
        %dma_start3A_30 = tpu.memref_slice %arg8[%add3A_14] : memref<425984xf32, #tpu.memory_space<hbm>> -> memref<1024xf32, #tpu.memory_space<hbm>>
        %dma_start3A_31 = tpu.memref_slice %arg8[%add3A_14] : memref<425984xf32, #tpu.memory_space<hbm>> -> memref<1024xf32, #tpu.memory_space<hbm>>
        tpu.enqueue_dma source(%arg14 : memref<1024xf32, #tpu.memory_space<vmem>>) target(%dma_start3A_31 : memref<1024xf32, #tpu.memory_space<hbm>>) target_semaphore(%run_scoped3A : memref<!tpu.dma_semaphore, #tpu.memory_space<semaphore_mem>>)
        %dma_wait3A_32 = tpu.memref_slice %arg8[%add3A_14] : memref<425984xf32, #tpu.memory_space<hbm>> -> memref<1024xf32, #tpu.memory_space<hbm>>
        %dma_wait3A_33 = tpu.memref_slice %arg8[%add3A_14] : memref<425984xf32, #tpu.memory_space<hbm>> -> memref<1024xf32, #tpu.memory_space<hbm>>
        tpu.wait_dma2 semaphore(%run_scoped3A : memref<!tpu.dma_semaphore, #tpu.memory_space<semaphore_mem>>) src(%arg14 : memref<1024xf32, #tpu.memory_space<vmem>>) dst(%dma_wait3A_33 : memref<1024xf32, #tpu.memory_space<hbm>>)
        tpu.yield
      }) : () -> ()
    }
    %scan3A_6 = arith.constant 13 : i32
    return
  }
}

module attributes {stable_mosaic.version = 14 : i64} {
  func.func @_mlp_body(%arg0: i32, %arg1: memref<1024x416xf32, #tpu.memory_space<vmem>>, %arg2: memref<1024x26xf32, #tpu.memory_space<vmem>>, %arg3: memref<416x128xf32, #tpu.memory_space<vmem>>, %arg4: memref<26x128xf32, #tpu.memory_space<vmem>>, %arg5: memref<1x128xf32, #tpu.memory_space<vmem>>, %arg6: memref<1x128xf32, #tpu.memory_space<vmem>>, %arg7: memref<1x128xf32, #tpu.memory_space<vmem>>, %arg8: memref<128x64xf32, #tpu.memory_space<vmem>>, %arg9: memref<1x64xf32, #tpu.memory_space<vmem>>, %arg10: memref<1x64xf32, #tpu.memory_space<vmem>>, %arg11: memref<1x64xf32, #tpu.memory_space<vmem>>, %arg12: memref<64x32xf32, #tpu.memory_space<vmem>>, %arg13: memref<1x32xf32, #tpu.memory_space<vmem>>, %arg14: memref<1x32xf32, #tpu.memory_space<vmem>>, %arg15: memref<1x32xf32, #tpu.memory_space<vmem>>, %arg16: memref<32x1xf32, #tpu.memory_space<vmem>>, %arg17: memref<1x1xf32, #tpu.memory_space<vmem>>, %arg18: memref<16384x1xf32, #tpu.memory_space<vmem>>, %arg19: memref<16384x128xf32, #tpu.memory_space<vmem>>) attributes {dimension_semantics = [#tpu.dimension_semantics<arbitrary>], iteration_bounds = array<i64: 16>, scalar_prefetch = 0 : i64, scratch_operands = 1 : i64, tpu.core_type = #tpu.core_type<tc>, window_params = [{transform_indices = @transform_0, window_bounds = array<i64: 1024, 416>}, {transform_indices = @transform_1, window_bounds = array<i64: 1024, 26>}, {pipeline_mode = #tpu.pipeline_mode<synchronous>, transform_indices = @transform_2, window_bounds = array<i64: 416, 128>}, {pipeline_mode = #tpu.pipeline_mode<synchronous>, transform_indices = @transform_3, window_bounds = array<i64: 26, 128>}, {pipeline_mode = #tpu.pipeline_mode<synchronous>, transform_indices = @transform_4, window_bounds = array<i64: 1, 128>}, {pipeline_mode = #tpu.pipeline_mode<synchronous>, transform_indices = @transform_5, window_bounds = array<i64: 1, 128>}, {pipeline_mode = #tpu.pipeline_mode<synchronous>, transform_indices = @transform_6, window_bounds = array<i64: 1, 128>}, {pipeline_mode = #tpu.pipeline_mode<synchronous>, transform_indices = @transform_7, window_bounds = array<i64: 128, 64>}, {pipeline_mode = #tpu.pipeline_mode<synchronous>, transform_indices = @transform_8, window_bounds = array<i64: 1, 64>}, {pipeline_mode = #tpu.pipeline_mode<synchronous>, transform_indices = @transform_9, window_bounds = array<i64: 1, 64>}, {pipeline_mode = #tpu.pipeline_mode<synchronous>, transform_indices = @transform_10, window_bounds = array<i64: 1, 64>}, {pipeline_mode = #tpu.pipeline_mode<synchronous>, transform_indices = @transform_11, window_bounds = array<i64: 64, 32>}, {pipeline_mode = #tpu.pipeline_mode<synchronous>, transform_indices = @transform_12, window_bounds = array<i64: 1, 32>}, {pipeline_mode = #tpu.pipeline_mode<synchronous>, transform_indices = @transform_13, window_bounds = array<i64: 1, 32>}, {pipeline_mode = #tpu.pipeline_mode<synchronous>, transform_indices = @transform_14, window_bounds = array<i64: 1, 32>}, {pipeline_mode = #tpu.pipeline_mode<synchronous>, transform_indices = @transform_15, window_bounds = array<i64: 32, 1>}, {pipeline_mode = #tpu.pipeline_mode<synchronous>, transform_indices = @transform_16, window_bounds = array<i64: 1, 1>}, {pipeline_mode = #tpu.pipeline_mode<synchronous>, transform_indices = @transform_17, window_bounds = array<i64: 16384, 1>}]} {
    %get3A = arith.constant 0 : index
    %get3A_0 = arith.constant 0 : index
    %get3A_1 = vector.load %arg2[%get3A, %get3A_0] : memref<1024x26xf32, #tpu.memory_space<vmem>>, vector<1024x26xf32>
    %get3A_2 = arith.constant 0 : index
    %get3A_3 = arith.constant 0 : index
    %get3A_4 = vector.load %arg4[%get3A_2, %get3A_3] : memref<26x128xf32, #tpu.memory_space<vmem>>, vector<26x128xf32>
    %dot_general3A = arith.constant dense<0.000000e+00> : vector<1024x128xf32>
    %dot_general3A_5 = tpu.matmul %get3A_1, %get3A_4, %dot_general3A {dimension_numbers = #tpu.dot_dimension_numbers<[1], [0], [0], [1], [0, 0, 1, 1], [], []>, transpose_lhs_hint = false} : vector<1024x26xf32>, vector<26x128xf32>, vector<1024x128xf32> -> vector<1024x128xf32>
    %get3A_6 = arith.constant 0 : index
    %get3A_7 = arith.constant 0 : index
    %get3A_8 = vector.load %arg1[%get3A_6, %get3A_7] : memref<1024x416xf32, #tpu.memory_space<vmem>>, vector<1024x416xf32>
    %get3A_9 = arith.constant 0 : index
    %get3A_10 = arith.constant 0 : index
    %get3A_11 = vector.load %arg3[%get3A_9, %get3A_10] : memref<416x128xf32, #tpu.memory_space<vmem>>, vector<416x128xf32>
    %dot_general3A_12 = arith.constant dense<0.000000e+00> : vector<1024x128xf32>
    %dot_general3A_13 = tpu.matmul %get3A_8, %get3A_11, %dot_general3A_12 {dimension_numbers = #tpu.dot_dimension_numbers<[1], [0], [0], [1], [0, 0, 1, 1], [], []>, transpose_lhs_hint = false} : vector<1024x416xf32>, vector<416x128xf32>, vector<1024x128xf32> -> vector<1024x128xf32>
    %add3A = arith.addf %dot_general3A_5, %dot_general3A_13 : vector<1024x128xf32>
    %get3A_14 = arith.constant 0 : index
    %get3A_15 = arith.constant 0 : index
    %get3A_16 = vector.load %arg5[%get3A_14, %get3A_15] : memref<1x128xf32, #tpu.memory_space<vmem>>, vector<1x128xf32>
    %add3A_17 = vector.broadcast %get3A_16 : vector<1x128xf32> to vector<1024x128xf32>
    %add3A_18 = arith.addf %add3A, %add3A_17 : vector<1024x128xf32>
    %mul3A = arith.constant 1024 : i32
    %mul3A_19 = arith.muli %arg0, %mul3A : i32
    %swap3A = arith.index_cast %mul3A_19 : i32 to index
    %swap3A_20 = arith.constant 0 : index
    %swap3A_21 = vector.load %arg19[%swap3A, %swap3A_20] : memref<16384x128xf32, #tpu.memory_space<vmem>>, vector<1024x128xf32>
    tpu.vector_store %arg19[%swap3A, %swap3A_20], %add3A_18 {strides = array<i32>} : memref<16384x128xf32, #tpu.memory_space<vmem>>, vector<1024x128xf32>,
    %eq3A = arith.constant 15 : i32
    %eq3A_22 = arith.cmpi eq, %arg0, %eq3A : i32
    %convert_element_type3A = arith.extui %eq3A_22 : i1 to i32
    %cond3A = arith.constant 0 : i32
    %cond3A_23 = arith.cmpi ne, %convert_element_type3A, %cond3A : i32
    scf.if %cond3A_23 {
      %get3A_24 = arith.constant 0 : index
      %get3A_25 = arith.constant 0 : index
      %get3A_26 = vector.load %arg19[%get3A_24, %get3A_25] : memref<16384x128xf32, #tpu.memory_space<vmem>>, vector<16384x128xf32>
      %get3A_27 = arith.constant 0 : index
      %get3A_28 = arith.constant 0 : index
      %get3A_29 = vector.load %arg6[%get3A_27, %get3A_28] : memref<1x128xf32, #tpu.memory_space<vmem>>, vector<1x128xf32>
      %get3A_30 = arith.constant 0 : index
      %get3A_31 = arith.constant 0 : index
      %get3A_32 = vector.load %arg7[%get3A_30, %get3A_31] : memref<1x128xf32, #tpu.memory_space<vmem>>, vector<1x128xf32>
      %reduce_sum3A = arith.constant dense<0.000000e+00> : vector<128xf32>
      %reduce_sum3A_33 = vector.multi_reduction <add>, %get3A_26, %reduce_sum3A [0] : vector<16384x128xf32> to vector<128xf32>
      %broadcast_in_dim3A = vector.shape_cast %reduce_sum3A_33 : vector<128xf32> to vector<1x128xf32>
      %div3A = arith.constant 1.638400e+04 : f32
      %div3A_34 = vector.broadcast %div3A : f32 to vector<1x128xf32>
      %div3A_35 = arith.divf %broadcast_in_dim3A, %div3A_34 : vector<1x128xf32>
      %sub3A = vector.broadcast %div3A_35 : vector<1x128xf32> to vector<16384x128xf32>
      %sub3A_36 = arith.subf %get3A_26, %sub3A : vector<16384x128xf32>
      %integer_pow3A = arith.mulf %sub3A_36, %sub3A_36 : vector<16384x128xf32>
      %reduce_sum3A_37 = arith.constant dense<0.000000e+00> : vector<128xf32>
      %reduce_sum3A_38 = vector.multi_reduction <add>, %integer_pow3A, %reduce_sum3A_37 [0] : vector<16384x128xf32> to vector<128xf32>
      %broadcast_in_dim3A_39 = vector.shape_cast %reduce_sum3A_38 : vector<128xf32> to vector<1x128xf32>
      %div3A_40 = arith.constant 1.638400e+04 : f32
      %div3A_41 = vector.broadcast %div3A_40 : f32 to vector<1x128xf32>
      %div3A_42 = arith.divf %broadcast_in_dim3A_39, %div3A_41 : vector<1x128xf32>
      %sub3A_43 = vector.broadcast %div3A_35 : vector<1x128xf32> to vector<16384x128xf32>
      %sub3A_44 = arith.subf %get3A_26, %sub3A_43 : vector<16384x128xf32>
      %add3A_45 = arith.constant 9.99999974E-6 : f32
      %add3A_46 = vector.broadcast %add3A_45 : f32 to vector<1x128xf32>
      %add3A_47 = arith.addf %div3A_42, %add3A_46 : vector<1x128xf32>
      %rsqrt3A = math.rsqrt %add3A_47 : vector<1x128xf32>
      %mul3A_48 = vector.broadcast %rsqrt3A : vector<1x128xf32> to vector<16384x128xf32>
      %mul3A_49 = arith.mulf %sub3A_44, %mul3A_48 : vector<16384x128xf32>
      %mul3A_50 = vector.broadcast %get3A_29 : vector<1x128xf32> to vector<16384x128xf32>
      %mul3A_51 = arith.mulf %mul3A_49, %mul3A_50 : vector<16384x128xf32>
      %add3A_52 = vector.broadcast %get3A_32 : vector<1x128xf32> to vector<16384x128xf32>
      %add3A_53 = arith.addf %mul3A_51, %add3A_52 : vector<16384x128xf32>
      %max3A = arith.constant 0.000000e+00 : f32
      %max3A_54 = vector.broadcast %max3A : f32 to vector<16384x128xf32>
      %max3A_55 = arith.maximumf %add3A_53, %max3A_54 : vector<16384x128xf32>
      %get3A_56 = arith.constant 0 : index
      %get3A_57 = arith.constant 0 : index
      %get3A_58 = vector.load %arg8[%get3A_56, %get3A_57] : memref<128x64xf32, #tpu.memory_space<vmem>>, vector<128x64xf32>
      %dot_general3A_59 = arith.constant dense<0.000000e+00> : vector<16384x64xf32>
      %dot_general3A_60 = tpu.matmul %max3A_55, %get3A_58, %dot_general3A_59 {dimension_numbers = #tpu.dot_dimension_numbers<[1], [0], [0], [1], [0, 0, 1, 1], [], []>, transpose_lhs_hint = false} : vector<16384x128xf32>, vector<128x64xf32>, vector<16384x64xf32> -> vector<16384x64xf32>
      %get3A_61 = arith.constant 0 : index
      %get3A_62 = arith.constant 0 : index
      %get3A_63 = vector.load %arg9[%get3A_61, %get3A_62] : memref<1x64xf32, #tpu.memory_space<vmem>>, vector<1x64xf32>
      %add3A_64 = vector.broadcast %get3A_63 : vector<1x64xf32> to vector<16384x64xf32>
      %add3A_65 = arith.addf %dot_general3A_60, %add3A_64 : vector<16384x64xf32>
      %get3A_66 = arith.constant 0 : index
      %get3A_67 = arith.constant 0 : index
      %get3A_68 = vector.load %arg10[%get3A_66, %get3A_67] : memref<1x64xf32, #tpu.memory_space<vmem>>, vector<1x64xf32>
      %get3A_69 = arith.constant 0 : index
      %get3A_70 = arith.constant 0 : index
      %get3A_71 = vector.load %arg11[%get3A_69, %get3A_70] : memref<1x64xf32, #tpu.memory_space<vmem>>, vector<1x64xf32>
      %reduce_sum3A_72 = arith.constant dense<0.000000e+00> : vector<64xf32>
      %reduce_sum3A_73 = vector.multi_reduction <add>, %add3A_65, %reduce_sum3A_72 [0] : vector<16384x64xf32> to vector<64xf32>
      %broadcast_in_dim3A_74 = vector.shape_cast %reduce_sum3A_73 : vector<64xf32> to vector<1x64xf32>
      %div3A_75 = arith.constant 1.638400e+04 : f32
      %div3A_76 = vector.broadcast %div3A_75 : f32 to vector<1x64xf32>
      %div3A_77 = arith.divf %broadcast_in_dim3A_74, %div3A_76 : vector<1x64xf32>
      %sub3A_78 = vector.broadcast %div3A_77 : vector<1x64xf32> to vector<16384x64xf32>
      %sub3A_79 = arith.subf %add3A_65, %sub3A_78 : vector<16384x64xf32>
      %integer_pow3A_80 = arith.mulf %sub3A_79, %sub3A_79 : vector<16384x64xf32>
      %reduce_sum3A_81 = arith.constant dense<0.000000e+00> : vector<64xf32>
      %reduce_sum3A_82 = vector.multi_reduction <add>, %integer_pow3A_80, %reduce_sum3A_81 [0] : vector<16384x64xf32> to vector<64xf32>
      %broadcast_in_dim3A_83 = vector.shape_cast %reduce_sum3A_82 : vector<64xf32> to vector<1x64xf32>
      %div3A_84 = arith.constant 1.638400e+04 : f32
      %div3A_85 = vector.broadcast %div3A_84 : f32 to vector<1x64xf32>
      %div3A_86 = arith.divf %broadcast_in_dim3A_83, %div3A_85 : vector<1x64xf32>
      %sub3A_87 = vector.broadcast %div3A_77 : vector<1x64xf32> to vector<16384x64xf32>
      %sub3A_88 = arith.subf %add3A_65, %sub3A_87 : vector<16384x64xf32>
      %add3A_89 = arith.constant 9.99999974E-6 : f32
      %add3A_90 = vector.broadcast %add3A_89 : f32 to vector<1x64xf32>
      %add3A_91 = arith.addf %div3A_86, %add3A_90 : vector<1x64xf32>
      %rsqrt3A_92 = math.rsqrt %add3A_91 : vector<1x64xf32>
      %mul3A_93 = vector.broadcast %rsqrt3A_92 : vector<1x64xf32> to vector<16384x64xf32>
      %mul3A_94 = arith.mulf %sub3A_88, %mul3A_93 : vector<16384x64xf32>
      %mul3A_95 = vector.broadcast %get3A_68 : vector<1x64xf32> to vector<16384x64xf32>
      %mul3A_96 = arith.mulf %mul3A_94, %mul3A_95 : vector<16384x64xf32>
      %add3A_97 = vector.broadcast %get3A_71 : vector<1x64xf32> to vector<16384x64xf32>
      %add3A_98 = arith.addf %mul3A_96, %add3A_97 : vector<16384x64xf32>
      %max3A_99 = arith.constant 0.000000e+00 : f32
      %max3A_100 = vector.broadcast %max3A_99 : f32 to vector<16384x64xf32>
      %max3A_101 = arith.maximumf %add3A_98, %max3A_100 : vector<16384x64xf32>
      %get3A_102 = arith.constant 0 : index
      %get3A_103 = arith.constant 0 : index
      %get3A_104 = vector.load %arg12[%get3A_102, %get3A_103] : memref<64x32xf32, #tpu.memory_space<vmem>>, vector<64x32xf32>
      %dot_general3A_105 = arith.constant dense<0.000000e+00> : vector<16384x32xf32>
      %dot_general3A_106 = tpu.matmul %max3A_101, %get3A_104, %dot_general3A_105 {dimension_numbers = #tpu.dot_dimension_numbers<[1], [0], [0], [1], [0, 0, 1, 1], [], []>, transpose_lhs_hint = false} : vector<16384x64xf32>, vector<64x32xf32>, vector<16384x32xf32> -> vector<16384x32xf32>
      %get3A_107 = arith.constant 0 : index
      %get3A_108 = arith.constant 0 : index
      %get3A_109 = vector.load %arg13[%get3A_107, %get3A_108] : memref<1x32xf32, #tpu.memory_space<vmem>>, vector<1x32xf32>
      %add3A_110 = vector.broadcast %get3A_109 : vector<1x32xf32> to vector<16384x32xf32>
      %add3A_111 = arith.addf %dot_general3A_106, %add3A_110 : vector<16384x32xf32>
      %get3A_112 = arith.constant 0 : index
      %get3A_113 = arith.constant 0 : index
      %get3A_114 = vector.load %arg14[%get3A_112, %get3A_113] : memref<1x32xf32, #tpu.memory_space<vmem>>, vector<1x32xf32>
      %get3A_115 = arith.constant 0 : index
      %get3A_116 = arith.constant 0 : index
      %get3A_117 = vector.load %arg15[%get3A_115, %get3A_116] : memref<1x32xf32, #tpu.memory_space<vmem>>, vector<1x32xf32>
      %reduce_sum3A_118 = arith.constant dense<0.000000e+00> : vector<32xf32>
      %reduce_sum3A_119 = vector.multi_reduction <add>, %add3A_111, %reduce_sum3A_118 [0] : vector<16384x32xf32> to vector<32xf32>
      %broadcast_in_dim3A_120 = vector.shape_cast %reduce_sum3A_119 : vector<32xf32> to vector<1x32xf32>
      %div3A_121 = arith.constant 1.638400e+04 : f32
      %div3A_122 = vector.broadcast %div3A_121 : f32 to vector<1x32xf32>
      %div3A_123 = arith.divf %broadcast_in_dim3A_120, %div3A_122 : vector<1x32xf32>
      %sub3A_124 = vector.broadcast %div3A_123 : vector<1x32xf32> to vector<16384x32xf32>
      %sub3A_125 = arith.subf %add3A_111, %sub3A_124 : vector<16384x32xf32>
      %integer_pow3A_126 = arith.mulf %sub3A_125, %sub3A_125 : vector<16384x32xf32>
      %reduce_sum3A_127 = arith.constant dense<0.000000e+00> : vector<32xf32>
      %reduce_sum3A_128 = vector.multi_reduction <add>, %integer_pow3A_126, %reduce_sum3A_127 [0] : vector<16384x32xf32> to vector<32xf32>
      %broadcast_in_dim3A_129 = vector.shape_cast %reduce_sum3A_128 : vector<32xf32> to vector<1x32xf32>
      %div3A_130 = arith.constant 1.638400e+04 : f32
      %div3A_131 = vector.broadcast %div3A_130 : f32 to vector<1x32xf32>
      %div3A_132 = arith.divf %broadcast_in_dim3A_129, %div3A_131 : vector<1x32xf32>
      %sub3A_133 = vector.broadcast %div3A_123 : vector<1x32xf32> to vector<16384x32xf32>
      %sub3A_134 = arith.subf %add3A_111, %sub3A_133 : vector<16384x32xf32>
      %add3A_135 = arith.constant 9.99999974E-6 : f32
      %add3A_136 = vector.broadcast %add3A_135 : f32 to vector<1x32xf32>
      %add3A_137 = arith.addf %div3A_132, %add3A_136 : vector<1x32xf32>
      %rsqrt3A_138 = math.rsqrt %add3A_137 : vector<1x32xf32>
      %mul3A_139 = vector.broadcast %rsqrt3A_138 : vector<1x32xf32> to vector<16384x32xf32>
      %mul3A_140 = arith.mulf %sub3A_134, %mul3A_139 : vector<16384x32xf32>
      %mul3A_141 = vector.broadcast %get3A_114 : vector<1x32xf32> to vector<16384x32xf32>
      %mul3A_142 = arith.mulf %mul3A_140, %mul3A_141 : vector<16384x32xf32>
      %add3A_143 = vector.broadcast %get3A_117 : vector<1x32xf32> to vector<16384x32xf32>
      %add3A_144 = arith.addf %mul3A_142, %add3A_143 : vector<16384x32xf32>
      %max3A_145 = arith.constant 0.000000e+00 : f32
      %max3A_146 = vector.broadcast %max3A_145 : f32 to vector<16384x32xf32>
      %max3A_147 = arith.maximumf %add3A_144, %max3A_146 : vector<16384x32xf32>
      %get3A_148 = arith.constant 0 : index
      %get3A_149 = arith.constant 0 : index
      %get3A_150 = vector.load %arg16[%get3A_148, %get3A_149] : memref<32x1xf32, #tpu.memory_space<vmem>>, vector<32x1xf32>
      %dot_general3A_151 = arith.constant dense<0.000000e+00> : vector<16384x1xf32>
      %dot_general3A_152 = tpu.matmul %max3A_147, %get3A_150, %dot_general3A_151 {dimension_numbers = #tpu.dot_dimension_numbers<[1], [0], [0], [1], [0, 0, 1, 1], [], []>, transpose_lhs_hint = false} : vector<16384x32xf32>, vector<32x1xf32>, vector<16384x1xf32> -> vector<16384x1xf32>
      %get3A_153 = arith.constant 0 : index
      %get3A_154 = arith.constant 0 : index
      %get3A_155 = vector.load %arg17[%get3A_153, %get3A_154] : memref<1x1xf32, #tpu.memory_space<vmem>>, vector<1x1xf32>
      %add3A_156 = vector.broadcast %get3A_155 : vector<1x1xf32> to vector<16384x1xf32>
      %add3A_157 = arith.addf %dot_general3A_152, %add3A_156 : vector<16384x1xf32>
      %logistic3A = arith.negf %add3A_157 : vector<16384x1xf32>
      %logistic3A_158 = math.exp %logistic3A : vector<16384x1xf32>
      %logistic3A_159 = arith.constant 1.000000e+00 : f32
      %logistic3A_160 = vector.broadcast %logistic3A_159 : f32 to vector<16384x1xf32>
      %logistic3A_161 = arith.addf %logistic3A_160, %logistic3A_158 : vector<16384x1xf32>
      %logistic3A_162 = arith.divf %logistic3A_160, %logistic3A_161 : vector<16384x1xf32>
      %swap3A_163 = arith.constant 0 : index
      %swap3A_164 = arith.constant 0 : index
      %swap3A_165 = vector.load %arg18[%swap3A_163, %swap3A_164] : memref<16384x1xf32, #tpu.memory_space<vmem>>, vector<16384x1xf32>
      tpu.vector_store %arg18[%swap3A_163, %swap3A_164], %logistic3A_162 {strides = array<i32>} : memref<16384x1xf32, #tpu.memory_space<vmem>>, vector<16384x1xf32>,
    } else {
    }
    return
  }
  func.func @transform_0(%arg0: i32) -> (i32, i32) {
    %c0_i32 = arith.constant 0 : i32
    %c0_i32_0 = arith.constant 0 : i32
    return %arg0, %c0_i32 : i32, i32
  }
  func.func @transform_1(%arg0: i32) -> (i32, i32) {
    %c0_i32 = arith.constant 0 : i32
    %c0_i32_0 = arith.constant 0 : i32
    return %arg0, %c0_i32 : i32, i32
  }
  func.func @transform_2(%arg0: i32) -> (i32, i32) {
    %c0_i32 = arith.constant 0 : i32
    %c0_i32_0 = arith.constant 0 : i32
    %c0_i32_1 = arith.constant 0 : i32
    return %c0_i32, %c0_i32_0 : i32, i32
  }
  func.func @transform_3(%arg0: i32) -> (i32, i32) {
    %c0_i32 = arith.constant 0 : i32
    %c0_i32_0 = arith.constant 0 : i32
    %c0_i32_1 = arith.constant 0 : i32
    return %c0_i32, %c0_i32_0 : i32, i32
  }
  func.func @transform_4(%arg0: i32) -> (i32, i32) {
    %c0_i32 = arith.constant 0 : i32
    %c0_i32_0 = arith.constant 0 : i32
    %c0_i32_1 = arith.constant 0 : i32
    return %c0_i32, %c0_i32_0 : i32, i32
  }
  func.func @transform_5(%arg0: i32) -> (i32, i32) {
    %c0_i32 = arith.constant 0 : i32
    %c0_i32_0 = arith.constant 0 : i32
    %c0_i32_1 = arith.constant 0 : i32
    return %c0_i32, %c0_i32_0 : i32, i32
  }
  func.func @transform_6(%arg0: i32) -> (i32, i32) {
    %c0_i32 = arith.constant 0 : i32
    %c0_i32_0 = arith.constant 0 : i32
    %c0_i32_1 = arith.constant 0 : i32
    return %c0_i32, %c0_i32_0 : i32, i32
  }
  func.func @transform_7(%arg0: i32) -> (i32, i32) {
    %c0_i32 = arith.constant 0 : i32
    %c0_i32_0 = arith.constant 0 : i32
    %c0_i32_1 = arith.constant 0 : i32
    return %c0_i32, %c0_i32_0 : i32, i32
  }
  func.func @transform_8(%arg0: i32) -> (i32, i32) {
    %c0_i32 = arith.constant 0 : i32
    %c0_i32_0 = arith.constant 0 : i32
    %c0_i32_1 = arith.constant 0 : i32
    return %c0_i32, %c0_i32_0 : i32, i32
  }
  func.func @transform_9(%arg0: i32) -> (i32, i32) {
    %c0_i32 = arith.constant 0 : i32
    %c0_i32_0 = arith.constant 0 : i32
    %c0_i32_1 = arith.constant 0 : i32
    return %c0_i32, %c0_i32_0 : i32, i32
  }
  func.func @transform_10(%arg0: i32) -> (i32, i32) {
    %c0_i32 = arith.constant 0 : i32
    %c0_i32_0 = arith.constant 0 : i32
    %c0_i32_1 = arith.constant 0 : i32
    return %c0_i32, %c0_i32_0 : i32, i32
  }
  func.func @transform_11(%arg0: i32) -> (i32, i32) {
    %c0_i32 = arith.constant 0 : i32
    %c0_i32_0 = arith.constant 0 : i32
    %c0_i32_1 = arith.constant 0 : i32
    return %c0_i32, %c0_i32_0 : i32, i32
  }
  func.func @transform_12(%arg0: i32) -> (i32, i32) {
    %c0_i32 = arith.constant 0 : i32
    %c0_i32_0 = arith.constant 0 : i32
    %c0_i32_1 = arith.constant 0 : i32
    return %c0_i32, %c0_i32_0 : i32, i32
  }
  func.func @transform_13(%arg0: i32) -> (i32, i32) {
    %c0_i32 = arith.constant 0 : i32
    %c0_i32_0 = arith.constant 0 : i32
    %c0_i32_1 = arith.constant 0 : i32
    return %c0_i32, %c0_i32_0 : i32, i32
  }
  func.func @transform_14(%arg0: i32) -> (i32, i32) {
    %c0_i32 = arith.constant 0 : i32
    %c0_i32_0 = arith.constant 0 : i32
    %c0_i32_1 = arith.constant 0 : i32
    return %c0_i32, %c0_i32_0 : i32, i32
  }
  func.func @transform_15(%arg0: i32) -> (i32, i32) {
    %c0_i32 = arith.constant 0 : i32
    %c0_i32_0 = arith.constant 0 : i32
    %c0_i32_1 = arith.constant 0 : i32
    return %c0_i32, %c0_i32_0 : i32, i32
  }
  func.func @transform_16(%arg0: i32) -> (i32, i32) {
    %c0_i32 = arith.constant 0 : i32
    %c0_i32_0 = arith.constant 0 : i32
    %c0_i32_1 = arith.constant 0 : i32
    return %c0_i32, %c0_i32_0 : i32, i32
  }
  func.func @transform_17(%arg0: i32) -> (i32, i32) {
    %c0_i32 = arith.constant 0 : i32
    %c0_i32_0 = arith.constant 0 : i32
    %c0_i32_1 = arith.constant 0 : i32
    return %c0_i32, %c0_i32_0 : i32, i32
  }
}

</mosaic_0001>

<sc_bundles>
// kernel: kernel.4.cloned.1.call-start
scs
__scs_entry_jumppad:
0x0: {  	(pc) =	sbr.rel $0x88, $3  }
0x1: {  	(tag) =	ssettag $0x0;
	lr =	simm.s32 $0x1  }
0x2: {  	[smem:$0x3F90] =	sst lr;
	_ =	strace $0xD0000000  }
0x3: {  	_ = 	snop  }
0x4: {  	_ = 	snop  }
0x5: {  	_ = 	snop  }
0x6: {  	_ = 	snop  }
0x7: {  	_ = 	snop  }
__scs_overlays_trampoline_lowered:
0x8: {  	[smem:$0x3F9F] =	sst s0  }
0x9: {  	[smem:$0x3FA0] =	sst s1  }
0xa: {  	[smem:$0x3FA1] =	sst s2  }
0xb: {  	[smem:$0x3FA2] =	sst s3  }
0xc: {  	[smem:$0x3FA3] =	sst s4  }
0xd: {  	[smem:$0x3FA4] =	sst s5  }
0xe: {  	[smem:$0x3FA5] =	sst s6  }
0xf: {  	[smem:$0x3FA6] =	sst s7  }
0x10: {  	[smem:$0x3FA7] =	sst s8  }
0x11: {  	[smem:$0x3FA8] =	sst s9;
	s0 =	simm.s32 @!p0 $0x0  }
0x12: {  	s1 =	sld [smem:$0x3F8E];
	s0 =	simm.s32 @p0 $0x1  }
0x13: {  	[smem:$0x3FA9] =	sst s0;
	s0 =	simm.s32 @!p1 $0x0  }
0x14: {  	s2 =	sld [smem:$0x3F8D];
	s0 =	simm.s32 @p1 $0x1  }
0x15: {  	[smem:$0x3FAA] =	sst s0;
	s0 =	simm.s32 @!p2 $0x0  }
0x16: {  	s3 =	sld [smem:$0x3FDB];
	s0 =	simm.s32 @p2 $0x1  }
0x17: {  	s4 =	simm.s32 $0x1BF5;
	[smem:$0x3FAC] =	sst s0  }
0x18: {  	s0 =	sld [smem:$0x3F8F];
	_ =	swait.ge [sflag:s4], $0x0  }
0x19: {  	s7 =	sld [smem:$0x3F90]  }
0x1a: {  	s8 =	sadd.s32 $0xFFFFE003, lr  }
0x1b: {  	s9 =	sadd.s32 $0xFFFFFEF7, lr;
	s5 =	simm.s32 $0xFFFFFFFF;
	p2 =	slt.u32 s8, $0xFFFFF086  }
0x1c: {  	p1 =	slt.u32 s9, $0xF7A;
	s5 =	simm.s32 @!p2 $0x0  }
0x1d: {  	s5 =	simm.s32 @p1 $0x1;
	p0 =	seq.s32 s7, s2  }
0x1e: {  	s7 =	smul.u32 @!p0 $0xF7A, s2;
	p2 =	seq.s32 @!p0 s5, $0x0  }
0x1f: {  	s9 =	smul.u32 $0xF7A, s1;
	s8 =	simm.s32 @!p0 $0x1BF5;
	p2 =	por !p2, p0  }
0x20: {  	[sflag:s8] =	ssyncset.s32 @!p0 $0xFFFFF086;
	s6 =	sadd.s32 @!p0 s3, s7;
	s7 =	simm.s32 @!p0 $0x108  }
0x21: {  	s3 =	sadd.s32 s3, s9;
	s6 =	sadd.s32 @!p0 $0x88, s6;
	s7 =	simm.s32 @p2 $0x1082  }
0x22: {  	[simem:s7], [sflag:s8] =	dma.local @!p0 [hbm:s6], $0xF7A  }
0x23: {  	s9 =	sor.u32 $0xD0000000, s2;
	s6 =	simm.s32 $0x108;
	_ =	swait.ge @!p0 [sflag:s8], $0x0  }
0x24: {  	s3 =	sadd.s32 $0x88, s3;
	s6 =	simm.s32 @!p1 $0x1082;
	[sflag:s4] =	ssyncset.s32 $0xFFFFF086  }
0x25: {  	[simem:s6], [sflag:s4] =	dma.local [hbm:s3], $0xF7A  }
0x26: {  	[smem:$0x3F90] =	sst s1;
	(tag) =	ssettag s2;
	_ =	strace s9  }
0x27: {  	s1 =	sld [smem:$0x3FA0]  }
0x28: {  	s2 =	sld [smem:$0x3FA1]  }
0x29: {  	s4 =	sld [smem:$0x3FA3]  }
0x2a: {  	p0 =	seq.s32 s5, $0x0;
	s5 =	sld [smem:$0x3FA4]  }
0x2b: {  	s6 =	sld [smem:$0x3FA5]  }
0x2c: {  	s7 =	sld [smem:$0x3FA6]  }
0x2d: {  	s3 =	simm.s32 $0x108;
	s8 =	sld [smem:$0x3FA7]  }
0x2e: {  	s3 =	simm.s32 @!p0 $0x1082;
	s9 =	sld [smem:$0x3FA8]  }
0x2f: {  	lr =	sadd.s32 s0, s3;
	s0 =	sld [smem:$0x3F9F]  }
0x30: {  	s3 =	sld [smem:$0x3FA2]  }
0x31: {  	[smem:$0x3FAB] =	sst s10  }
0x32: {  	s10 =	sld [smem:$0x3FA9];
	_ =	sdelay $0x3  }
0x33: {  	p0 =	seq.s32 s10, $0x1;
	s10 =	sld [smem:$0x3FAB];
	_ =	sdelay $0x3  }
0x34: {  	[smem:$0x3FAB] =	sst s10  }
0x35: {  	s10 =	sld [smem:$0x3FAA];
	_ =	sdelay $0x3  }
0x36: {  	p1 =	seq.s32 s10, $0x1;
	s10 =	sld [smem:$0x3FAB];
	_ =	sdelay $0x3  }
0x37: {  	[smem:$0x3FAB] =	sst s10  }
0x38: {  	s10 =	sld [smem:$0x3FAC]  }
0x39: {  	_ = 	snop;
	(pc) =	sbr.ind lr, $3  }
0x3a: {  	_ = 	snop  }
0x3b: {  	_ = 	snop  }
0x3c: {  	p2 =	seq.s32 s10, $0x1;
	s10 =	sld [smem:$0x3FAB]  }
0x3d: {  	_ =	shalt  }
0x3e: {  	_ =	shalt  }
0x3f: {  	_ =	shalt  }
0x40: {  	_ =	shalt  }
0x41: {  	_ =	shalt  }
0x42: {  	_ =	shalt  }
0x43: {  	_ =	shalt  }
0x44: {  	_ =	shalt  }
0x45: {  	_ =	shalt  }
0x46: {  	_ =	shalt  }
0x47: {  	_ =	shalt  }
0x48: {  	_ =	shalt  }
0x49: {  	_ =	shalt  }
0x4a: {  	_ =	shalt  }
0x4b: {  	_ =	shalt  }
0x4c: {  	_ =	shalt  }
0x4d: {  	_ =	shalt  }
0x4e: {  	_ =	shalt  }
0x4f: {  	_ =	shalt  }
0x50: {  	_ =	shalt  }
0x51: {  	_ =	shalt  }
0x52: {  	_ =	shalt  }
0x53: {  	_ =	shalt  }
0x54: {  	_ =	shalt  }
0x55: {  	_ =	shalt  }
0x56: {  	_ =	shalt  }
0x57: {  	_ =	shalt  }
0x58: {  	_ =	shalt  }
0x59: {  	_ =	shalt  }
0x5a: {  	_ =	shalt  }
0x5b: {  	_ =	shalt  }
0x5c: {  	_ =	shalt  }
0x5d: {  	_ =	shalt  }
0x5e: {  	_ =	shalt  }
0x5f: {  	_ =	shalt  }
0x60: {  	_ =	shalt  }
0x61: {  	_ =	shalt  }
0x62: {  	_ =	shalt  }
0x63: {  	_ =	shalt  }
0x64: {  	_ =	shalt  }
0x65: {  	_ =	shalt  }
0x66: {  	_ =	shalt  }
0x67: {  	_ =	shalt  }
0x68: {  	_ =	shalt  }
0x69: {  	_ =	shalt  }
0x6a: {  	_ =	shalt  }
0x6b: {  	_ =	shalt  }
0x6c: {  	_ =	shalt  }
0x6d: {  	_ =	shalt  }
0x6e: {  	_ =	shalt  }
0x6f: {  	_ =	shalt  }
0x70: {  	_ =	shalt  }
0x71: {  	_ =	shalt  }
0x72: {  	_ =	shalt  }
0x73: {  	_ =	shalt  }
0x74: {  	_ =	shalt  }
0x75: {  	_ =	shalt  }
0x76: {  	_ =	shalt  }
0x77: {  	_ =	shalt  }
0x78: {  	_ =	shalt  }
0x79: {  	_ =	shalt  }
0x7a: {  	_ =	shalt  }
0x7b: {  	_ =	shalt  }
0x7c: {  	_ =	shalt  }
0x7d: {  	_ =	shalt  }
0x7e: {  	_ =	shalt  }
0x7f: {  	_ =	shalt  }
0x80: {  	_ =	shalt  }
0x81: {  	_ =	shalt  }
0x82: {  	_ =	shalt  }
0x83: {  	_ =	shalt  }
0x84: {  	_ =	shalt  }
0x85: {  	_ =	shalt  }
0x86: {  	_ =	shalt  }
0x87: {  	_ =	shalt  }
.Lfunc_end0:
.L_simem_size_0:
called_computation_lowered:
.L_overlay_start_0:
0x88: {  	s2 =	sld [smem:$0x3FD9]  }
0x89: {  	s3 =	sld [smem:$0x3FFE];
	_ =	sdelay $0x1  }
0x8a: {  	s1 =	srdreg.scid  }
0x8b: {  	s0 =	sand.u32 $0x1, s1  }
0x8c: {  	s16 =	sshll.u32 s0, $0xA;
	s2 =	sadd.s32 s3, s2  }
0x8d: {  	s2 =	sadd.s32 s2, s16  }
0x8e: {  	[smem:$0x3FB7] =	sst s2  }
0x8f: {  	_ = 	snop  }
0x90: {  	(tm) =	ssettm $0x1  }
0x91: {  	s17 =	sld [smem:$0x3FFB];
	_ =	sdelay $0x3  }
0x92: {  	_ =	strace s17  }
0x93: {  	s2 =	sld [smem:$0x3FFC];
	_ =	sdelay $0x3  }
0x94: {  	_ =	strace s2  }
0x95: {  	s2 =	sld [smem:$0x3FFD];
	_ =	sdelay $0x3  }
0x96: {  	_ =	strace s2  }
0x97: {  	_ =	strace $0x8FFFFFFF  }
0x98: {  	s18 =	sld [smem:$0x3FDB];
	_ =	sdelay $0x1  }
0x99: {  	s19 =	simm.s32 $_scs_section_size  }
0x9a: {  	s4 =	simm.s32 $_size__tile_overlayer_lowered;
	s5 =	simm.s32 $_tile_overlayer_lowered  }
0x9b: {  	s22 =	simm.s32 $0x1BFF;
	s21 =	sshll.u32 s5, $0x1;
	s2 =	sadd.s32 s19, s18  }
0x9c: {  	s6 =	simm.s32 $0x0;
	s20 =	sshll.u32 s4, $0x1;
	s4 =	sadd.s32 s21, s2  }
0x9d: {  	[timem:s6], [sflag:s22] =	dma.local [hbm:s4], s20  }
0x9e: {  	_ =	swait.ge [sflag:s22], s20  }
0x9f: {  	s3 =	ssub.s32 $0x0, s20;
	[sflag:s22] =	ssyncset.done $0x0  }
0xa0: {  	[sflag:s22] =	ssyncadd.s32 s3;
	_ =	sdelay $0x1  }
0xa1: {  	s23 =	simm.s32 $0x1B8B  }
0xa2: {  	_ =	swait.ge [sflag:s23], $0x1  }
0xa3: {  	[sflag:s23] =	ssyncset.done $0x0  }
0xa4: {  	s25 =	simm.s32 $0x1B8E;
	s24 =	sld [smem:$0x3FFE];
	[sflag:s23] =	ssyncadd.s32 $0xFFFFFFFF  }
0xa5: {  	s26 =	simm.s32 $execute0_lowered;
	[smem:$0x3FD2] =	sst s25  }
0xa6: {  	s4 =	sshll.u32 s26, $0x1;
	_ =	strace $0x80000046;
	[dreg:$0x1] =	wrdreg $0xFFFFFFFF  }
0xa7: {  	s28 =	simm.s32 $_size_execute0_lowered;
	s2 =	sadd.s32 s2, s4;
	[dreg:$0x0] =	wrdreg $0x0  }
0xa8: {  	s4 =	sshll.u32 s28, $0x1;
	[dreg:$0x2] =	wrdreg s2  }
0xa9: {  	[dreg:$0x3] =	wrdreg s4  }
0xaa: {  	[dreg:$0x4] =	wrdreg $0xC0  }
0xab: {  	_ =	task [dreg:s6], $0x5FFFF  }
0xac: {  	[dreg:$0x1] =	wrdreg $0xFFFFFFFF  }
0xad: {  	[dreg:$0x0] =	wrdreg $0x60  }
0xae: {  	[dreg:$0x2] =	wrdreg s24  }
0xaf: {  	[dreg:$0x3] =	wrdreg $0x9  }
0xb0: {  	_ =	task.clear_ibuf [dreg:s6], $0x4FFFF;
	_ =	strace $0x90000046  }
0xb1: {  	s29 =	simm.s32 $0x9;
	_ =	strace $0x80000048  }
0xb2: {  	_ =	swait.ge [sflag:s29], $0x1  }
0xb3: {  	[sflag:s29] =	ssyncadd.s32 $0xFFFFFFFF  }
0xb4: {  	_ =	strace $0x90000048  }
0xb5: {  	_ =	sfence  }
0xb6: {  	s30 =	sld [smem:$0x0];
	_ =	sdelay $0x2  }
0xb7: {  	s31 =	sshll.u32 s1, $0xD;
	s1 =	sshrl.u32 s1, $0x2  }
0xb8: {  	s3 =	sand.u32 $0x4000, s31;
	s1 =	sadd.s32 s1, s30  }
0xb9: {  	s0 =	sor.u32 s3, s0;
	s1 =	sshll.u32 s1, $0x11  }
0xba: {  	s0 =	sor.u32 s1, s0  }
0xbb: {  	s0 =	sadd.s32 $0x8F2B, s0  }
0xbc: {  	[sflag:s0] =	ssyncadd.remote.s32 $0x1  }
0xbd: {  	_ =	sfence.sel $0xFFFF  }
0xbe: {  	[dreg:$0x0] =	wrdreg $0xFFFFFFFF;
	(pc) =	sbr.abs _section_cstart, $3  }
0xbf: {  	[dreg:$0x1] =	wrdreg $0xFFFFFFFF  }
0xc0: {  	_ =	task.clear_ibuf [dreg:s6], $0x2FFFF;
	_ =	strace $0x9FFFFFFF  }
0xc1: {  	(tm) =	ssettm $0x7FFFFFFF  }
tec
execute0_lowered:
.L_overlay_start_1:
0x0: {  	(tag) =	ssettag $0x1  }
0x1: {  	s9 =	rddreg [dreg:$0x0]  }
0x2: {  	s0 =	rddreg [dreg:$0x1];
	s1 =	simm.s32 $0x0  }
0x3: {  	s7 =	srdreg.scid;
	s3 =	stileid.u32;
	s14 =	simm.s32 $0xC00  }
0x4: {  	s15 =	simm.s32 $0x4C00;
	s16 =	simm.s32 $0x1;
	s17 =	simm.s32 $0x2  }
0x5: {  	s18 =	simm.s32 $0x8C00;
	s19 =	simm.s32 $0x0;
	[smem:$0x7FF] =	sst s1  }
0x6: {  	s2 =	sadd.s32 $0xF44A00, s9;
	s4 =	sadd.s32 $0x29400, s9;
	s5 =	sadd.s32 $0x2400, s9  }
0x7: {  	s6 =	sadd.s32 $0x1C400, s9;
	s10 =	sand.u32 $0x1, s7;
	s7 =	sadd.s32 $0xF400, s9  }
0x8: {  	s12 =	sshll.u32 s3, $0x1;
	s8 =	sadd.s32 $0x47E00, s9;
	s11 =	ssub.s32 $0x2, s10  }
0x9: {  	s9 =	sadd.s32 $0x117E00, s9;
	_ =	strace $0x80000047;
	s13 =	sshrl.u32 s11, $0x1  }
0xa: {  	v0 =	vlaneseq.u32;
	s10 =	sor.u32 s10, s12;
	s12 =	simm.s32 $0x3;
	s11 =	ssub.s32 s11, s13  }
0xb: {  	v0 =	vmul.u32 $0x10, v0;
	s10 =	smul.u32 $0x3400, s10;
	s13 =	simm.s32 $0x400;
	s11 =	smax.u32 s11, $0x1  }
.LBB2_1:
0xc: {  	s20 =	simm.s32 $0x0  }
.LBB2_2:
0xd: {  	s21 =	sshll.u32 s20, $0xA  }
0xe: {  	s22 =	sadd.s32 s10, s21  }
0xf: {  	s21 =	sshrl.u32 s22, $0x3  }
0x10: {  	s24 =	simm.s32 $0x0;
	s23 =	sadd.s32 s5, s21  }
0x11: {  	[tilespmem:s24], [sflag:$0x3] =	stream.linear.gather [hbm4b:s23+s24], $0x400, $0x38;
	[tilespmem:$0x9000] =	vst v63  }
0x12: {  	_ =	swait.ge [sflag:s12], $0x400  }
0x13: {  	[sflag:s12] =	ssyncset.done $0x0  }
0x14: {  	s30 =	sadd.s32 s6, s21;
	[sflag:s12] =	ssyncadd.s32 $0xFFFFFC00  }
0x15: {  	[tilespmem:s13], [sflag:$0x3] =	stream.linear.gather [hbm4b:s30+s24], $0x400, $0x38;
	[tilespmem:$0x9000] =	vst v63  }
0x16: {  	_ =	swait.ge [sflag:s12], $0x400  }
0x17: {  	[sflag:s12] =	ssyncset.done $0x0  }
0x18: {  	s25 =	simm.s32 $0x800;
	s31 =	sadd.s32 s7, s21;
	[sflag:s12] =	ssyncadd.s32 $0xFFFFFC00  }
0x19: {  	[tilespmem:s25], [sflag:$0x3] =	stream.linear.gather [hbm4b:s31+s24], $0x400, $0x38;
	[tilespmem:$0x9000] =	vst v63  }
0x1a: {  	_ =	swait.ge [sflag:s12], $0x400  }
0x1b: {  	[sflag:s12] =	ssyncset.done $0x0  }
0x1c: {  	[sflag:s12] =	ssyncadd.s32 $0xFFFFFC00  }
0x1d: {  	[tilespmem:s14], [sflag:$0x1] =	stream.indirect.gather [hbm4b:s2+s13], $0x10, s24, s13, $0xb8;
	[tilespmem:$0x9000] =	vst v63  }
0x1e: {  	_ = 	snop  }
0x1f: {  	[tilespmem:s15], [sflag:$0x2] =	stream.indirect.gather [hbm4b:s4+s13], $0x10, s13, s13, $0xb8;
	[tilespmem:$0x9000] =	vst v63  }
0x20: {  	_ =	swait.ge [sflag:s16], $0x4000  }
0x21: {  	[sflag:s16] =	ssyncset.done $0x0  }
0x22: {  	[sflag:s16] =	ssyncadd.s32 $0xFFFFC000  }
0x23: {  	_ =	swait.ge [sflag:s17], $0x4000  }
0x24: {  	s22 =	sshll.u32 s22, $0x1;
	[sflag:s17] =	ssyncset.done $0x0  }
0x25: {  	s22 =	sadd.s32 s8, s22;
	[sflag:s17] =	ssyncadd.s32 $0xFFFFC000  }
0x26: {  	[hbm4b:s22+s24] =	stream.linear.scatter [tilespmem:s14], [sflag:$0x3], $0x4000, $0x38;
	[tilespmem:$0x9000] =	vst v63  }
0x27: {  	_ =	swait.ge [sflag:s12], $0x4000  }
0x28: {  	[sflag:s12] =	ssyncset.done $0x0  }
0x29: {  	[sflag:s12] =	ssyncadd.s32 $0xFFFFC000  }
0x2a: {  	v1 =	vld [tilespmem:s25+$0x0];
	_ =	sdelay $0x2  }
0x2b: {  	v2 =	vmov s24  }
0x2c: {  	v2 =	vshll.u32 v2, $0x4  }
0x2d: {  	v2 =	vor.u32 v0, v2;
	v3 =	vand.u32 $0xFFFFFFF8, v1  }
0x2e: {  	v1 =	vand.u32 $0x7, v1;
	v2 =	vadd.s32 v2, v3  }
0x2f: {  	v1 =	vor.u32 v1, v2;
	_ =	sdelay $0x4  }
0x30: {  	v1 =	vld.idx.msk [tilespmem:v1+s15+$0x0], $0xffff;
	_ =	sdelay $0x3  }
0x31: {  	s22 =	simm.s32 $0x8C00  }
0x32: {  	s23 =	simm.s32 $0x810;
	[tilespmem:s22+$0x0] =	vst v1  }
0x33: {  	s24 =	simm.s32 $0x10;
	s25 =	simm.s32 $0x20;
	v1 =	vld [tilespmem:s23+$0x0]  }
.LBB2_3:
0x34: {  	p0 =	sne.s32 s25, $0x3F0;
	_ =	sdelay $0x1  }
0x35: {  	v2 =	vmov s24;
	s24 =	smov.u32 s25  }
0x36: {  	v2 =	vshll.u32 v2, $0x4  }
0x37: {  	v2 =	vor.u32 v0, v2;
	v3 =	vand.u32 $0xFFFFFFF8, v1  }
0x38: {  	v1 =	vand.u32 $0x7, v1;
	v2 =	vadd.s32 v2, v3  }
0x39: {  	v1 =	vor.u32 v1, v2;
	_ =	sdelay $0x4  }
0x3a: {  	v1 =	vld.idx.msk [tilespmem:v1+s15+$0x0], $0xffff;
	_ =	sdelay $0x2  }
.Ltmp0:
0x3b: {  	(pc) =	sbr.rel @p0 .LBB2_3-.Ltmp0, $4  }
0x3c: {  	_ = 	snop  }
0x3d: {  	s22 =	sadd.s32 $0x10, s22  }
0x3e: {  	s23 =	sadd.s32 $0x10, s23;
	[tilespmem:s22+$0x0] =	vst v1  }
0x3f: {  	s25 =	sadd.s32 $0x10, s25;
	v1 =	vld [tilespmem:s23+$0x0]  }
0x40: {  	_ =	sdelay $0x1  }
0x41: {  	v2 =	vmov s24  }
0x42: {  	v2 =	vshll.u32 v2, $0x4  }
0x43: {  	v2 =	vor.u32 v0, v2;
	v3 =	vand.u32 $0xFFFFFFF8, v1  }
0x44: {  	v1 =	vand.u32 $0x7, v1;
	v2 =	vadd.s32 v2, v3  }
0x45: {  	v1 =	vor.u32 v1, v2;
	_ =	sdelay $0x4  }
0x46: {  	v1 =	vld.idx.msk [tilespmem:v1+s15+$0x0], $0xffff;
	_ =	sdelay $0x2  }
0x47: {  	s20 =	sadd.s32 $0x1, s20  }
0x48: {  	s22 =	sadd.s32 $0x10, s22;
	p0 =	sne.s32 s20, $0xD  }
.Ltmp1:
0x49: {  	s21 =	sadd.s32 s9, s21;
	[tilespmem:s22+$0x0] =	vst v1;
	(pc) =	sbr.rel @p0 .LBB2_2-.Ltmp1, $4  }
0x4a: {  	[hbm4b:s21+s1] =	stream.linear.scatter [tilespmem:s18], [sflag:$0x3], $0x400, $0x38;
	[tilespmem:$0x9000] =	vst v63  }
0x4b: {  	_ =	swait.ge [sflag:s12], $0x400  }
0x4c: {  	[sflag:s12] =	ssyncset.done $0x0  }
0x4d: {  	[sflag:s12] =	ssyncadd.s32 $0xFFFFFC00  }
0x4e: {  	s19 =	sadd.s32 $0x1, s19  }
0x4f: {  	p0 =	sne.s32 s19, s11  }
.Ltmp2:
0x50: {  	_ = 	snop;
	(pc) =	sbr.rel @p0 .LBB2_1-.Ltmp2, $1  }
0x51: {  	_ =	sdelay $0x3  }
0x52: {  	_ =	sfence.sel $0x180000  }
0x53: {  	[bflag:$0x0] =	sbarrier.arrive $0xFFFF  }
0x54: {  	p0 =	sne.s32 s3, $0x0;
	_ =	strace $0x90000047  }
0x55: {  	s0 =	sadd.s32 @!p0 $0x100000, s0;
	[bflag:$0x2] =	sbarrier.arrive $0xFFFF  }
0x56: {  	[sflag:s0] =	ssyncadd.tile.s32 @!p0 $0x1;
	_ =	shalt  }
.Lfunc_end2:
_tile_overlayer_lowered:
.L_overlay_start_2:
0x57: {  	(tag) =	ssettag $0x2  }
0x58: {  	s0 =	rddreg [dreg:$0x0];
	s2 =	stileid.u32  }
0x59: {  	s1 =	rddreg [dreg:$0x1];
	p0 =	sne.s32 s2, $0x0  }
0x5a: {  	s3 =	rddreg [dreg:$0x2];
	[bflag:$0x3] =	sbarrier.arrive $0xFFFF;
	s2 =	simm.s32 @!p0 $0x1C03  }
0x5b: {  	[timem:s3], [sflag:s2] =	dma.local @!p0 [hbm:s0], s1  }
0x5c: {  	s0 =	simm.s32 @!p0 $0x3  }
0x5d: {  	_ =	swait.ge @!p0 [sflag:s0], s1  }
0x5e: {  	s1 =	ssub.s32 @!p0 $0x0, s1;
	[sflag:s0] =	ssyncset.done @!p0 $0x0  }
0x5f: {  	[sflag:s0] =	ssyncadd.s32 @!p0 s1  }
0x60: {  	[bflag:$0x3] =	sbarrier.arrive $0xFFFF  }
0x61: {  	_ =	shalt  }

</sc_bundles>
